<compile_context>
chip_gen: v7x
topology: tpu7x:2x2x1
jax: 0.10.2.dev20260603
libtpu: 0.0.44.dev20260713+nightly
codegen_flags: <defaults>
</compile_context>

<pallas_src>
import functools

import jax
import jax.numpy as jnp
from jax import lax
from jax.experimental import pallas as pl
from jax.experimental.pallas import tpu as pltpu
from jax.experimental.pallas import tpu_sc as plsc

_N_E = 8192
_E_DIM = 32
_BETA = 0.2
_BM = 256
_GRID = _N_E // _BM

_NC = 2
_NS = 16
_NW = _NC * _NS
_PER_W = _N_E // _NW
_GCHUNK = 128


def _dist_body(z_ref, az_ref, embb_ref, emb_ref, ae_ref, aeh_ref,
               idx_ref, mind_ref, sm_ref, rs_ref, rq_ref):
    emb = emb_ref[...]

    zb = z_ref[...]
    az = az_ref[...]
    ae = ae_ref[...]
    p = lax.dot_general(zb, emb, (((1,), (1,)), ((), ())),
                        preferred_element_type=jnp.float32)
    d = (az + ae) - 2.0 * p
    mind = jnp.min(d, axis=1, keepdims=True)
    cols = lax.broadcasted_iota(jnp.int32, d.shape, 1)
    idx = jnp.min(jnp.where(d == mind, cols, _N_E), axis=1)
    idx_ref[0, 0, :] = idx
    mind_ref[0, 0, :] = mind[:, 0]

    i = pl.program_id(0)
    eb = embb_ref[...]
    aeh = aeh_ref[...]
    pc = lax.dot_general(eb, emb, (((1,), (1,)), ((), ())),
                         preferred_element_type=jnp.float32)
    u = aeh - pc
    rows = lax.broadcasted_iota(jnp.int32, u.shape, 0) + i * _BM
    um = jnp.where(rows == cols, jnp.float32(jnp.inf), u)
    sm_ref[0, 0, :] = jnp.min(um, axis=1)
    rs_ref[0, 0, :] = jnp.sum(u, axis=1)
    rq_ref[0, 0, :] = jnp.sum(u * u, axis=1)


_dist_call = pl.pallas_call(
    _dist_body,
    grid=(_GRID,),
    in_specs=[
        pl.BlockSpec((_BM, _E_DIM), lambda i: (i, 0)),
        pl.BlockSpec((_BM, 1), lambda i: (i, 0)),
        pl.BlockSpec((_BM, _E_DIM), lambda i: (i, 0)),
        pl.BlockSpec((_N_E, _E_DIM), lambda i: (0, 0)),
        pl.BlockSpec((1, _N_E), lambda i: (0, 0)),
        pl.BlockSpec((1, _N_E), lambda i: (0, 0)),
    ],
    out_specs=[
        pl.BlockSpec((1, 1, _BM), lambda i: (i, 0, 0)),
        pl.BlockSpec((1, 1, _BM), lambda i: (i, 0, 0)),
        pl.BlockSpec((1, 1, _BM), lambda i: (i, 0, 0)),
        pl.BlockSpec((1, 1, _BM), lambda i: (i, 0, 0)),
        pl.BlockSpec((1, 1, _BM), lambda i: (i, 0, 0)),
    ],
    out_shape=[
        jax.ShapeDtypeStruct((_GRID, 1, _BM), jnp.int32),
        jax.ShapeDtypeStruct((_GRID, 1, _BM), jnp.float32),
        jax.ShapeDtypeStruct((_GRID, 1, _BM), jnp.float32),
        jax.ShapeDtypeStruct((_GRID, 1, _BM), jnp.float32),
        jax.ShapeDtypeStruct((_GRID, 1, _BM), jnp.float32),
    ],
)


@functools.cache
def _build_sc_call():
    mesh = plsc.VectorSubcoreMesh(core_axis_name="c", subcore_axis_name="s",
                                  num_cores=_NC, num_subcores=_NS)
    return functools.partial(
        pl.kernel,
        out_type=[
            jax.ShapeDtypeStruct((_N_E, _E_DIM), jnp.float32),
            jax.ShapeDtypeStruct((2 * _N_E,), jnp.float32),
        ],
        mesh=mesh,
        scratch_types=[
            pltpu.VMEM((_N_E,), jnp.int32),
            pltpu.VMEM((_GCHUNK,), jnp.int32),
            pltpu.VMEM((_GCHUNK, _E_DIM), jnp.float32),
            pltpu.VMEM((_PER_W,), jnp.float32),
            pltpu.SemaphoreType.DMA,
        ],
        compiler_params=pltpu.CompilerParams(needs_layout_passes=False,
                                             use_tc_tiling_on_sc=False),
    )(_sc_body)


def _sc_body(emb_hbm, idx_hbm, zq_hbm, samp_hbm, idx_all, idx_v, rows_v,
             oh_v, sem):
    wid = lax.axis_index("s") * _NC + lax.axis_index("c")
    base = wid * _PER_W

    for k in range(_PER_W // _GCHUNK):
        off = base + k * _GCHUNK
        pltpu.sync_copy(idx_hbm.at[pl.ds(off, _GCHUNK)], idx_v)
        pltpu.async_copy(emb_hbm.at[idx_v], rows_v, sem).wait()
        pltpu.sync_copy(rows_v, zq_hbm.at[pl.ds(off, _GCHUNK)])

    zeros16 = jnp.zeros((16,), jnp.float32)
    for t in range(_PER_W // 16):
        oh_v[pl.ds(t * 16, 16)] = zeros16
    pltpu.sync_copy(oh_v, samp_hbm.at[pl.ds(_N_E + base, _PER_W)])

    pltpu.sync_copy(idx_hbm, idx_all)
    ones16 = jnp.ones((16,), jnp.float32)

    def scan_step(j, carry):
        v = idx_all[pl.ds(j * 16, 16)]
        m = (v >= base) & (v < base + _PER_W)
        loc = jnp.where(m, v - base, 0)
        plsc.store_scatter(oh_v, [loc], ones16, mask=m)
        return carry

    lax.fori_loop(0, _N_E // 16, scan_step, 0, unroll=4)
    pltpu.sync_copy(oh_v, samp_hbm.at[pl.ds(base, _PER_W)])


def kernel(z, emb_weight):
    b, c, h, w, zd = z.shape
    zp = jnp.transpose(z, (0, 2, 3, 4, 1))
    z_flat = zp.reshape(-1, _E_DIM)
    a_z = jnp.sum(z_flat ** 2, axis=1, keepdims=True)
    a_e = jnp.sum(emb_weight ** 2, axis=1)
    aeh_row = (0.5 * a_e).reshape(1, _N_E)

    idx3, mind3, sm3, rs3, rq3 = _dist_call(
        z_flat, a_z, emb_weight, emb_weight, a_e.reshape(1, _N_E), aeh_row)
    idx = idx3.reshape(-1)
    mind = mind3.reshape(-1)

    zq_flat, samp_flat = _build_sc_call()(emb_weight, idx)

    z_q = zq_flat.reshape(zp.shape)
    m = jnp.sum(mind) / jnp.float32(z.size)
    loss = _BETA * m + m
    z_q_st = zp + (z_q - zp)
    z_q_out = jnp.transpose(z_q_st, (0, 4, 1, 2, 3))
    min_enc = idx.reshape(b, h, w, zd)
    sampled_idx = samp_flat.reshape(b, _N_E)
    second_min = a_e + 2.0 * sm3.reshape(-1)
    rs = rs3.reshape(-1)
    rq = rq3.reshape(-1)
    mean_cb_distance = jnp.mean(second_min)
    var_u = (rq - rs * rs / jnp.float32(_N_E)) / jnp.float32(_N_E - 1)
    mean_cb_variance = jnp.mean(4.0 * var_u)
    return z_q_out, loss, (min_enc, sampled_idx, mean_cb_distance,
                           mean_cb_variance)

# --- scband reference (transcript-rebuilt; emitter-appended) ---
"""Pipeline reference for scband-vector-quantiser-67525475827789 (READ-ONLY COPY).

The authoritative reference and input builder live on the scoring server;
editing this copy changes nothing except your own understanding.
"""

import jax, jax.numpy as jnp
import numpy as np

N_E = 8192
E_DIM = 32
BETA = 0.2


def setup_inputs(seed: int = 0):
    key = jax.random.key(seed)
    k1, k2 = jax.random.split(key)
    z = jax.random.normal(k1, (2, 32, 16, 16, 16), dtype=jnp.float32)
    emb_weight = jax.random.uniform(k2, (N_E, E_DIM), dtype=jnp.float32, minval=-1.0 / N_E, maxval=1.0 / N_E)
    return {"z": z, "emb_weight": emb_weight}


def _dist(u, v):
    # ||u||^2 + ||v||^2 - 2 u v^T
    return jnp.sum(u ** 2, axis=1, keepdims=True) + jnp.sum(v ** 2, axis=1) - 2.0 * jnp.einsum('bd,dn->bn', u, v.T)


def reference(z, emb_weight):
    b, c, h, w, zd = z.shape
    sg = jax.lax.stop_gradient
    # rearrange 'b c h w z -> b h w z c'
    zp = jnp.transpose(z, (0, 2, 3, 4, 1))
    z_flat = zp.reshape(-1, E_DIM)
    d = _dist(z_flat, emb_weight)
    min_encoding_indices = jnp.argmin(d, axis=1)
    z_q = jnp.take(emb_weight, min_encoding_indices, axis=0).reshape(zp.shape)
    # codebook self-distance stats
    cd = _dist(emb_weight, emb_weight)
    # torch.kthvalue(cd, 2, 0): 2nd smallest along dim 0
    second_min = jnp.sort(cd, axis=0)[1]
    mean_cb_distance = jnp.mean(second_min)
    mean_cb_variance = jnp.mean(jnp.var(cd, axis=1, ddof=1))
    # legacy=False branch
    loss = BETA * jnp.mean((sg(z_q) - zp) ** 2) + jnp.mean((z_q - sg(zp)) ** 2)
    # straight-through estimator
    z_q_st = zp + sg(z_q - zp)
    # rearrange 'b h w z c -> b c h w z'
    z_q_out = jnp.transpose(z_q_st, (0, 4, 1, 2, 3))
    min_enc = min_encoding_indices.reshape(b, h, w, zd)
    sampled_idx = jnp.zeros(b * N_E, dtype=jnp.float32).at[min_encoding_indices].set(1.0).reshape(b, N_E)
    return z_q_out, loss, (min_enc, sampled_idx, mean_cb_distance, mean_cb_variance)

if __name__ == "__main__":
    import jax
    _d = setup_inputs()
    print(jax.jit(kernel)(*tuple(_d.values())))

</pallas_src>

<mosaic_0001>
#map = affine_map<(d0, d1) -> (0, 0)>
#map1 = affine_map<(d0, d1) -> (0)>
module attributes {stable_mosaic.version = 14 : i64} {
  func.func @_sc_body(%arg0: i32, %arg1: i32, %arg2: memref<8192x32xf32, #tpu.memory_space<hbm>>, %arg3: memref<8192xi32, #tpu.memory_space<hbm>>, %arg4: memref<8192x32xf32, #tpu.memory_space<hbm>>, %arg5: memref<16384xf32, #tpu.memory_space<hbm>>, %arg6: memref<8192xi32, #tpu.memory_space<vmem>>, %arg7: memref<128xi32, #tpu.memory_space<vmem>>, %arg8: memref<128x32xf32, #tpu.memory_space<vmem>>, %arg9: memref<256xf32, #tpu.memory_space<vmem>>, %arg10: memref<!tpu.dma_semaphore, #tpu.memory_space<semaphore_mem>>) attributes {dimension_semantics = [#tpu.dimension_semantics<core_parallel>, #tpu.dimension_semantics<subcore_parallel>], iteration_bounds = array<i64: 2, 16>, scalar_prefetch = 0 : i64, scratch_operands = 5 : i64, tpu.core_type = #tpu.core_type<sc_vector_subcore>, window_params = [{transform_indices = #map}, {transform_indices = #map1}, {transform_indices = #map}, {transform_indices = #map1}]} {
    %mul3A = arith.constant 2 : i32
    %mul3A_0 = arith.muli %arg1, %mul3A : i32
    %add3A = arith.addi %mul3A_0, %arg0 : i32
    %mul3A_1 = arith.constant 256 : i32
    %mul3A_2 = arith.muli %add3A, %mul3A_1 : i32
    %add3A_3 = arith.constant 0 : i32
    %add3A_4 = arith.addi %mul3A_2, %add3A_3 : i32
    "tpu.region"() ({
      %run_scoped3A = tpu.sem_alloc : memref<!tpu.dma_semaphore, #tpu.memory_space<semaphore_mem>>
      %dma_start3A_58 = tpu.memref_slice %arg3[%add3A_4] : memref<8192xi32, #tpu.memory_space<hbm>> -> memref<128xi32, #tpu.memory_space<hbm>>
      %dma_start3A_59 = tpu.memref_slice %arg3[%add3A_4] : memref<8192xi32, #tpu.memory_space<hbm>> -> memref<128xi32, #tpu.memory_space<hbm>>
      tpu.enqueue_dma source(%dma_start3A_59 : memref<128xi32, #tpu.memory_space<hbm>>) target(%arg7 : memref<128xi32, #tpu.memory_space<vmem>>) target_semaphore(%run_scoped3A : memref<!tpu.dma_semaphore, #tpu.memory_space<semaphore_mem>>)
      %dma_wait3A_60 = tpu.memref_slice %arg3[%add3A_4] : memref<8192xi32, #tpu.memory_space<hbm>> -> memref<128xi32, #tpu.memory_space<hbm>>
      %dma_wait3A_61 = tpu.memref_slice %arg3[%add3A_4] : memref<8192xi32, #tpu.memory_space<hbm>> -> memref<128xi32, #tpu.memory_space<hbm>>
      tpu.wait_dma2 semaphore(%run_scoped3A : memref<!tpu.dma_semaphore, #tpu.memory_space<semaphore_mem>>) src(%dma_wait3A_61 : memref<128xi32, #tpu.memory_space<hbm>>) dst(%arg7 : memref<128xi32, #tpu.memory_space<vmem>>)
      tpu.yield
    }) : () -> ()
    %dma_start3A = arith.constant 0 : i32
    %dma_start3A_5 = arith.constant 0 : i32
    %dma_start3A_6 = tpu.memref_slice %arg2[%dma_start3A, %dma_start3A_5] : memref<8192x32xf32, #tpu.memory_space<hbm>> -> memref<8192x32xf32, #tpu.memory_space<hbm>>
    tpu.enqueue_indirect_dma source(%dma_start3A_6 : memref<8192x32xf32, #tpu.memory_space<hbm>>) target(%arg8 : memref<128x32xf32, #tpu.memory_space<vmem>>) offsets(%arg7 : memref<128xi32, #tpu.memory_space<vmem>>) semaphore(%arg10 : memref<!tpu.dma_semaphore, #tpu.memory_space<semaphore_mem>>)
    %dma_wait3A = arith.constant 0 : i32
    %dma_wait3A_7 = arith.constant 0 : i32
    %dma_wait3A_8 = tpu.memref_slice %arg2[%dma_wait3A, %dma_wait3A_7] : memref<8192x32xf32, #tpu.memory_space<hbm>> -> memref<8192x32xf32, #tpu.memory_space<hbm>>
    tpu.wait_indirect_dma semaphore(%arg10 : memref<!tpu.dma_semaphore, #tpu.memory_space<semaphore_mem>>) src(%dma_wait3A_8 : memref<8192x32xf32, #tpu.memory_space<hbm>>) dst(%arg8 : memref<128x32xf32, #tpu.memory_space<vmem>>)
    "tpu.region"() ({
      %run_scoped3A = tpu.sem_alloc : memref<!tpu.dma_semaphore, #tpu.memory_space<semaphore_mem>>
      %dma_start3A_58 = arith.constant 0 : i32
      %dma_start3A_59 = tpu.memref_slice %arg4[%add3A_4, %dma_start3A_58] : memref<8192x32xf32, #tpu.memory_space<hbm>> -> memref<128x32xf32, #tpu.memory_space<hbm>>
      %dma_start3A_60 = arith.constant 0 : i32
      %dma_start3A_61 = tpu.memref_slice %arg4[%add3A_4, %dma_start3A_60] : memref<8192x32xf32, #tpu.memory_space<hbm>> -> memref<128x32xf32, #tpu.memory_space<hbm>>
      tpu.enqueue_dma source(%arg8 : memref<128x32xf32, #tpu.memory_space<vmem>>) target(%dma_start3A_61 : memref<128x32xf32, #tpu.memory_space<hbm>>) target_semaphore(%run_scoped3A : memref<!tpu.dma_semaphore, #tpu.memory_space<semaphore_mem>>)
      %dma_wait3A_62 = arith.constant 0 : i32
      %dma_wait3A_63 = tpu.memref_slice %arg4[%add3A_4, %dma_wait3A_62] : memref<8192x32xf32, #tpu.memory_space<hbm>> -> memref<128x32xf32, #tpu.memory_space<hbm>>
      %dma_wait3A_64 = arith.constant 0 : i32
      %dma_wait3A_65 = tpu.memref_slice %arg4[%add3A_4, %dma_wait3A_64] : memref<8192x32xf32, #tpu.memory_space<hbm>> -> memref<128x32xf32, #tpu.memory_space<hbm>>
      tpu.wait_dma2 semaphore(%run_scoped3A : memref<!tpu.dma_semaphore, #tpu.memory_space<semaphore_mem>>) src(%arg8 : memref<128x32xf32, #tpu.memory_space<vmem>>) dst(%dma_wait3A_65 : memref<128x32xf32, #tpu.memory_space<hbm>>)
      tpu.yield
    }) : () -> ()
    %add3A_9 = arith.constant 128 : i32
    %add3A_10 = arith.addi %mul3A_2, %add3A_9 : i32
    "tpu.region"() ({
      %run_scoped3A = tpu.sem_alloc : memref<!tpu.dma_semaphore, #tpu.memory_space<semaphore_mem>>
      %dma_start3A_58 = tpu.memref_slice %arg3[%add3A_10] : memref<8192xi32, #tpu.memory_space<hbm>> -> memref<128xi32, #tpu.memory_space<hbm>>
      %dma_start3A_59 = tpu.memref_slice %arg3[%add3A_10] : memref<8192xi32, #tpu.memory_space<hbm>> -> memref<128xi32, #tpu.memory_space<hbm>>
      tpu.enqueue_dma source(%dma_start3A_59 : memref<128xi32, #tpu.memory_space<hbm>>) target(%arg7 : memref<128xi32, #tpu.memory_space<vmem>>) target_semaphore(%run_scoped3A : memref<!tpu.dma_semaphore, #tpu.memory_space<semaphore_mem>>)
      %dma_wait3A_60 = tpu.memref_slice %arg3[%add3A_10] : memref<8192xi32, #tpu.memory_space<hbm>> -> memref<128xi32, #tpu.memory_space<hbm>>
      %dma_wait3A_61 = tpu.memref_slice %arg3[%add3A_10] : memref<8192xi32, #tpu.memory_space<hbm>> -> memref<128xi32, #tpu.memory_space<hbm>>
      tpu.wait_dma2 semaphore(%run_scoped3A : memref<!tpu.dma_semaphore, #tpu.memory_space<semaphore_mem>>) src(%dma_wait3A_61 : memref<128xi32, #tpu.memory_space<hbm>>) dst(%arg7 : memref<128xi32, #tpu.memory_space<vmem>>)
      tpu.yield
    }) : () -> ()
    %dma_start3A_11 = arith.constant 0 : i32
    %dma_start3A_12 = arith.constant 0 : i32
    %dma_start3A_13 = tpu.memref_slice %arg2[%dma_start3A_11, %dma_start3A_12] : memref<8192x32xf32, #tpu.memory_space<hbm>> -> memref<8192x32xf32, #tpu.memory_space<hbm>>
    tpu.enqueue_indirect_dma source(%dma_start3A_13 : memref<8192x32xf32, #tpu.memory_space<hbm>>) target(%arg8 : memref<128x32xf32, #tpu.memory_space<vmem>>) offsets(%arg7 : memref<128xi32, #tpu.memory_space<vmem>>) semaphore(%arg10 : memref<!tpu.dma_semaphore, #tpu.memory_space<semaphore_mem>>)
    %dma_wait3A_14 = arith.constant 0 : i32
    %dma_wait3A_15 = arith.constant 0 : i32
    %dma_wait3A_16 = tpu.memref_slice %arg2[%dma_wait3A_14, %dma_wait3A_15] : memref<8192x32xf32, #tpu.memory_space<hbm>> -> memref<8192x32xf32, #tpu.memory_space<hbm>>
    tpu.wait_indirect_dma semaphore(%arg10 : memref<!tpu.dma_semaphore, #tpu.memory_space<semaphore_mem>>) src(%dma_wait3A_16 : memref<8192x32xf32, #tpu.memory_space<hbm>>) dst(%arg8 : memref<128x32xf32, #tpu.memory_space<vmem>>)
    "tpu.region"() ({
      %run_scoped3A = tpu.sem_alloc : memref<!tpu.dma_semaphore, #tpu.memory_space<semaphore_mem>>
      %dma_start3A_58 = arith.constant 0 : i32
      %dma_start3A_59 = tpu.memref_slice %arg4[%add3A_10, %dma_start3A_58] : memref<8192x32xf32, #tpu.memory_space<hbm>> -> memref<128x32xf32, #tpu.memory_space<hbm>>
      %dma_start3A_60 = arith.constant 0 : i32
      %dma_start3A_61 = tpu.memref_slice %arg4[%add3A_10, %dma_start3A_60] : memref<8192x32xf32, #tpu.memory_space<hbm>> -> memref<128x32xf32, #tpu.memory_space<hbm>>
      tpu.enqueue_dma source(%arg8 : memref<128x32xf32, #tpu.memory_space<vmem>>) target(%dma_start3A_61 : memref<128x32xf32, #tpu.memory_space<hbm>>) target_semaphore(%run_scoped3A : memref<!tpu.dma_semaphore, #tpu.memory_space<semaphore_mem>>)
      %dma_wait3A_62 = arith.constant 0 : i32
      %dma_wait3A_63 = tpu.memref_slice %arg4[%add3A_10, %dma_wait3A_62] : memref<8192x32xf32, #tpu.memory_space<hbm>> -> memref<128x32xf32, #tpu.memory_space<hbm>>
      %dma_wait3A_64 = arith.constant 0 : i32
      %dma_wait3A_65 = tpu.memref_slice %arg4[%add3A_10, %dma_wait3A_64] : memref<8192x32xf32, #tpu.memory_space<hbm>> -> memref<128x32xf32, #tpu.memory_space<hbm>>
      tpu.wait_dma2 semaphore(%run_scoped3A : memref<!tpu.dma_semaphore, #tpu.memory_space<semaphore_mem>>) src(%arg8 : memref<128x32xf32, #tpu.memory_space<vmem>>) dst(%dma_wait3A_65 : memref<128x32xf32, #tpu.memory_space<hbm>>)
      tpu.yield
    }) : () -> ()
    %broadcast_in_dim3A = arith.constant 0.000000e+00 : f32
    %broadcast_in_dim3A_17 = vector.broadcast %broadcast_in_dim3A : f32 to vector<16xf32>
    %swap3A = arith.constant 0 : index
    %swap3A_18 = tpu.vector_load %arg9[%swap3A] {strides = array<i32>} : memref<256xf32, #tpu.memory_space<vmem>>, vector<16xf32>,
    tpu.vector_store %arg9[%swap3A], %broadcast_in_dim3A_17 {strides = array<i32>} : memref<256xf32, #tpu.memory_space<vmem>>, vector<16xf32>,
    %swap3A_19 = arith.constant 16 : index
    %swap3A_20 = tpu.vector_load %arg9[%swap3A_19] {strides = array<i32>} : memref<256xf32, #tpu.memory_space<vmem>>, vector<16xf32>,
    tpu.vector_store %arg9[%swap3A_19], %broadcast_in_dim3A_17 {strides = array<i32>} : memref<256xf32, #tpu.memory_space<vmem>>, vector<16xf32>,
    %swap3A_21 = arith.constant 32 : index
    %swap3A_22 = tpu.vector_load %arg9[%swap3A_21] {strides = array<i32>} : memref<256xf32, #tpu.memory_space<vmem>>, vector<16xf32>,
    tpu.vector_store %arg9[%swap3A_21], %broadcast_in_dim3A_17 {strides = array<i32>} : memref<256xf32, #tpu.memory_space<vmem>>, vector<16xf32>,
    %swap3A_23 = arith.constant 48 : index
    %swap3A_24 = tpu.vector_load %arg9[%swap3A_23] {strides = array<i32>} : memref<256xf32, #tpu.memory_space<vmem>>, vector<16xf32>,
    tpu.vector_store %arg9[%swap3A_23], %broadcast_in_dim3A_17 {strides = array<i32>} : memref<256xf32, #tpu.memory_space<vmem>>, vector<16xf32>,
    %swap3A_25 = arith.constant 64 : index
    %swap3A_26 = tpu.vector_load %arg9[%swap3A_25] {strides = array<i32>} : memref<256xf32, #tpu.memory_space<vmem>>, vector<16xf32>,
    tpu.vector_store %arg9[%swap3A_25], %broadcast_in_dim3A_17 {strides = array<i32>} : memref<256xf32, #tpu.memory_space<vmem>>, vector<16xf32>,
    %swap3A_27 = arith.constant 80 : index
    %swap3A_28 = tpu.vector_load %arg9[%swap3A_27] {strides = array<i32>} : memref<256xf32, #tpu.memory_space<vmem>>, vector<16xf32>,
    tpu.vector_store %arg9[%swap3A_27], %broadcast_in_dim3A_17 {strides = array<i32>} : memref<256xf32, #tpu.memory_space<vmem>>, vector<16xf32>,
    %swap3A_29 = arith.constant 96 : index
    %swap3A_30 = tpu.vector_load %arg9[%swap3A_29] {strides = array<i32>} : memref<256xf32, #tpu.memory_space<vmem>>, vector<16xf32>,
    tpu.vector_store %arg9[%swap3A_29], %broadcast_in_dim3A_17 {strides = array<i32>} : memref<256xf32, #tpu.memory_space<vmem>>, vector<16xf32>,
    %swap3A_31 = arith.constant 112 : index
    %swap3A_32 = tpu.vector_load %arg9[%swap3A_31] {strides = array<i32>} : memref<256xf32, #tpu.memory_space<vmem>>, vector<16xf32>,
    tpu.vector_store %arg9[%swap3A_31], %broadcast_in_dim3A_17 {strides = array<i32>} : memref<256xf32, #tpu.memory_space<vmem>>, vector<16xf32>,
    %swap3A_33 = arith.constant 128 : index
    %swap3A_34 = tpu.vector_load %arg9[%swap3A_33] {strides = array<i32>} : memref<256xf32, #tpu.memory_space<vmem>>, vector<16xf32>,
    tpu.vector_store %arg9[%swap3A_33], %broadcast_in_dim3A_17 {strides = array<i32>} : memref<256xf32, #tpu.memory_space<vmem>>, vector<16xf32>,
    %swap3A_35 = arith.constant 144 : index
    %swap3A_36 = tpu.vector_load %arg9[%swap3A_35] {strides = array<i32>} : memref<256xf32, #tpu.memory_space<vmem>>, vector<16xf32>,
    tpu.vector_store %arg9[%swap3A_35], %broadcast_in_dim3A_17 {strides = array<i32>} : memref<256xf32, #tpu.memory_space<vmem>>, vector<16xf32>,
    %swap3A_37 = arith.constant 160 : index
    %swap3A_38 = tpu.vector_load %arg9[%swap3A_37] {strides = array<i32>} : memref<256xf32, #tpu.memory_space<vmem>>, vector<16xf32>,
    tpu.vector_store %arg9[%swap3A_37], %broadcast_in_dim3A_17 {strides = array<i32>} : memref<256xf32, #tpu.memory_space<vmem>>, vector<16xf32>,
    %swap3A_39 = arith.constant 176 : index
    %swap3A_40 = tpu.vector_load %arg9[%swap3A_39] {strides = array<i32>} : memref<256xf32, #tpu.memory_space<vmem>>, vector<16xf32>,
    tpu.vector_store %arg9[%swap3A_39], %broadcast_in_dim3A_17 {strides = array<i32>} : memref<256xf32, #tpu.memory_space<vmem>>, vector<16xf32>,
    %swap3A_41 = arith.constant 192 : index
    %swap3A_42 = tpu.vector_load %arg9[%swap3A_41] {strides = array<i32>} : memref<256xf32, #tpu.memory_space<vmem>>, vector<16xf32>,
    tpu.vector_store %arg9[%swap3A_41], %broadcast_in_dim3A_17 {strides = array<i32>} : memref<256xf32, #tpu.memory_space<vmem>>, vector<16xf32>,
    %swap3A_43 = arith.constant 208 : index
    %swap3A_44 = tpu.vector_load %arg9[%swap3A_43] {strides = array<i32>} : memref<256xf32, #tpu.memory_space<vmem>>, vector<16xf32>,
    tpu.vector_store %arg9[%swap3A_43], %broadcast_in_dim3A_17 {strides = array<i32>} : memref<256xf32, #tpu.memory_space<vmem>>, vector<16xf32>,
    %swap3A_45 = arith.constant 224 : index
    %swap3A_46 = tpu.vector_load %arg9[%swap3A_45] {strides = array<i32>} : memref<256xf32, #tpu.memory_space<vmem>>, vector<16xf32>,
    tpu.vector_store %arg9[%swap3A_45], %broadcast_in_dim3A_17 {strides = array<i32>} : memref<256xf32, #tpu.memory_space<vmem>>, vector<16xf32>,
    %swap3A_47 = arith.constant 240 : index
    %swap3A_48 = tpu.vector_load %arg9[%swap3A_47] {strides = array<i32>} : memref<256xf32, #tpu.memory_space<vmem>>, vector<16xf32>,
    tpu.vector_store %arg9[%swap3A_47], %broadcast_in_dim3A_17 {strides = array<i32>} : memref<256xf32, #tpu.memory_space<vmem>>, vector<16xf32>,
    %add3A_49 = arith.constant 8192 : i32
    %add3A_50 = arith.addi %add3A_49, %mul3A_2 : i32
    "tpu.region"() ({
      %run_scoped3A = tpu.sem_alloc : memref<!tpu.dma_semaphore, #tpu.memory_space<semaphore_mem>>
      %dma_start3A_58 = tpu.memref_slice %arg5[%add3A_50] : memref<16384xf32, #tpu.memory_space<hbm>> -> memref<256xf32, #tpu.memory_space<hbm>>
      %dma_start3A_59 = tpu.memref_slice %arg5[%add3A_50] : memref<16384xf32, #tpu.memory_space<hbm>> -> memref<256xf32, #tpu.memory_space<hbm>>
      tpu.enqueue_dma source(%arg9 : memref<256xf32, #tpu.memory_space<vmem>>) target(%dma_start3A_59 : memref<256xf32, #tpu.memory_space<hbm>>) target_semaphore(%run_scoped3A : memref<!tpu.dma_semaphore, #tpu.memory_space<semaphore_mem>>)
      %dma_wait3A_60 = tpu.memref_slice %arg5[%add3A_50] : memref<16384xf32, #tpu.memory_space<hbm>> -> memref<256xf32, #tpu.memory_space<hbm>>
      %dma_wait3A_61 = tpu.memref_slice %arg5[%add3A_50] : memref<16384xf32, #tpu.memory_space<hbm>> -> memref<256xf32, #tpu.memory_space<hbm>>
      tpu.wait_dma2 semaphore(%run_scoped3A : memref<!tpu.dma_semaphore, #tpu.memory_space<semaphore_mem>>) src(%arg9 : memref<256xf32, #tpu.memory_space<vmem>>) dst(%dma_wait3A_61 : memref<256xf32, #tpu.memory_space<hbm>>)
      tpu.yield
    }) : () -> ()
    "tpu.region"() ({
      %run_scoped3A = tpu.sem_alloc : memref<!tpu.dma_semaphore, #tpu.memory_space<semaphore_mem>>
      tpu.enqueue_dma source(%arg3 : memref<8192xi32, #tpu.memory_space<hbm>>) target(%arg6 : memref<8192xi32, #tpu.memory_space<vmem>>) target_semaphore(%run_scoped3A : memref<!tpu.dma_semaphore, #tpu.memory_space<semaphore_mem>>)
      tpu.wait_dma2 semaphore(%run_scoped3A : memref<!tpu.dma_semaphore, #tpu.memory_space<semaphore_mem>>) src(%arg3 : memref<8192xi32, #tpu.memory_space<hbm>>) dst(%arg6 : memref<8192xi32, #tpu.memory_space<vmem>>)
      tpu.yield
    }) : () -> ()
    %broadcast_in_dim3A_51 = arith.constant 1.000000e+00 : f32
    %broadcast_in_dim3A_52 = vector.broadcast %broadcast_in_dim3A_51 : f32 to vector<16xf32>
    %scan3A = arith.constant 0 : i32
    %scan3A_53 = arith.constant 0 : i32
    %scan3A_54 = arith.constant 512 : i32
    %scan3A_55 = arith.addi %scan3A_53, %scan3A_54 : i32
    %scan3A_56 = arith.constant 4 : i32
    scf.for %scan3A_58 = %scan3A_53 to %scan3A_55 step %scan3A_56  : i32 {
      %mul3A_59 = arith.constant 16 : i32
      %mul3A_60 = arith.muli %scan3A_58, %mul3A_59 : i32
      %get3A = arith.index_cast %mul3A_60 : i32 to index
      %get3A_61 = tpu.vector_load %arg6[%get3A] {strides = array<i32>} : memref<8192xi32, #tpu.memory_space<vmem>>, vector<16xi32>,
      %ge3A = vector.broadcast %mul3A_2 : i32 to vector<16xi32>
      %ge3A_62 = arith.cmpi sge, %get3A_61, %ge3A : vector<16xi32>
      %add3A_63 = arith.constant 256 : i32
      %add3A_64 = arith.addi %mul3A_2, %add3A_63 : i32
      %lt3A = vector.broadcast %add3A_64 : i32 to vector<16xi32>
      %lt3A_65 = arith.cmpi slt, %get3A_61, %lt3A : vector<16xi32>
      %and3A = arith.andi %ge3A_62, %lt3A_65 : vector<16xi1>
      %sub3A = vector.broadcast %mul3A_2 : i32 to vector<16xi32>
      %sub3A_66 = arith.subi %get3A_61, %sub3A : vector<16xi32>
      %jit3A = arith.constant 0 : i32
      %broadcast_in_dim3A_67 = vector.broadcast %jit3A : i32 to vector<16xi32>
      %select_n3A = arith.select %and3A, %sub3A_66, %broadcast_in_dim3A_67 : vector<16xi1>, vector<16xi32>
      tpu.vector_store_idx %arg9[%select_n3A], %broadcast_in_dim3A_52 masked %and3A : memref<256xf32, #tpu.memory_space<vmem>>[vector<16xi32>], vector<16xf32>, vector<16xi1>
      %scan3A_68 = arith.constant 1 : i32
      %scan3A_69 = arith.addi %scan3A_58, %scan3A_68 : i32
      %mul3A_70 = arith.constant 16 : i32
      %mul3A_71 = arith.muli %scan3A_69, %mul3A_70 : i32
      %get3A_72 = arith.index_cast %mul3A_71 : i32 to index
      %get3A_73 = tpu.vector_load %arg6[%get3A_72] {strides = array<i32>} : memref<8192xi32, #tpu.memory_space<vmem>>, vector<16xi32>,
      %ge3A_74 = vector.broadcast %mul3A_2 : i32 to vector<16xi32>
      %ge3A_75 = arith.cmpi sge, %get3A_73, %ge3A_74 : vector<16xi32>
      %add3A_76 = arith.constant 256 : i32
      %add3A_77 = arith.addi %mul3A_2, %add3A_76 : i32
      %lt3A_78 = vector.broadcast %add3A_77 : i32 to vector<16xi32>
      %lt3A_79 = arith.cmpi slt, %get3A_73, %lt3A_78 : vector<16xi32>
      %and3A_80 = arith.andi %ge3A_75, %lt3A_79 : vector<16xi1>
      %sub3A_81 = vector.broadcast %mul3A_2 : i32 to vector<16xi32>
      %sub3A_82 = arith.subi %get3A_73, %sub3A_81 : vector<16xi32>
      %jit3A_83 = arith.constant 0 : i32
      %broadcast_in_dim3A_84 = vector.broadcast %jit3A_83 : i32 to vector<16xi32>
      %select_n3A_85 = arith.select %and3A_80, %sub3A_82, %broadcast_in_dim3A_84 : vector<16xi1>, vector<16xi32>
      tpu.vector_store_idx %arg9[%select_n3A_85], %broadcast_in_dim3A_52 masked %and3A_80 : memref<256xf32, #tpu.memory_space<vmem>>[vector<16xi32>], vector<16xf32>, vector<16xi1>
      %scan3A_86 = arith.constant 2 : i32
      %scan3A_87 = arith.addi %scan3A_58, %scan3A_86 : i32
      %mul3A_88 = arith.constant 16 : i32
      %mul3A_89 = arith.muli %scan3A_87, %mul3A_88 : i32
      %get3A_90 = arith.index_cast %mul3A_89 : i32 to index
      %get3A_91 = tpu.vector_load %arg6[%get3A_90] {strides = array<i32>} : memref<8192xi32, #tpu.memory_space<vmem>>, vector<16xi32>,
      %ge3A_92 = vector.broadcast %mul3A_2 : i32 to vector<16xi32>
      %ge3A_93 = arith.cmpi sge, %get3A_91, %ge3A_92 : vector<16xi32>
      %add3A_94 = arith.constant 256 : i32
      %add3A_95 = arith.addi %mul3A_2, %add3A_94 : i32
      %lt3A_96 = vector.broadcast %add3A_95 : i32 to vector<16xi32>
      %lt3A_97 = arith.cmpi slt, %get3A_91, %lt3A_96 : vector<16xi32>
      %and3A_98 = arith.andi %ge3A_93, %lt3A_97 : vector<16xi1>
      %sub3A_99 = vector.broadcast %mul3A_2 : i32 to vector<16xi32>
      %sub3A_100 = arith.subi %get3A_91, %sub3A_99 : vector<16xi32>
      %jit3A_101 = arith.constant 0 : i32
      %broadcast_in_dim3A_102 = vector.broadcast %jit3A_101 : i32 to vector<16xi32>
      %select_n3A_103 = arith.select %and3A_98, %sub3A_100, %broadcast_in_dim3A_102 : vector<16xi1>, vector<16xi32>
      tpu.vector_store_idx %arg9[%select_n3A_103], %broadcast_in_dim3A_52 masked %and3A_98 : memref<256xf32, #tpu.memory_space<vmem>>[vector<16xi32>], vector<16xf32>, vector<16xi1>
      %scan3A_104 = arith.constant 3 : i32
      %scan3A_105 = arith.addi %scan3A_58, %scan3A_104 : i32
      %mul3A_106 = arith.constant 16 : i32
      %mul3A_107 = arith.muli %scan3A_105, %mul3A_106 : i32
      %get3A_108 = arith.index_cast %mul3A_107 : i32 to index
      %get3A_109 = tpu.vector_load %arg6[%get3A_108] {strides = array<i32>} : memref<8192xi32, #tpu.memory_space<vmem>>, vector<16xi32>,
      %ge3A_110 = vector.broadcast %mul3A_2 : i32 to vector<16xi32>
      %ge3A_111 = arith.cmpi sge, %get3A_109, %ge3A_110 : vector<16xi32>
      %add3A_112 = arith.constant 256 : i32
      %add3A_113 = arith.addi %mul3A_2, %add3A_112 : i32
      %lt3A_114 = vector.broadcast %add3A_113 : i32 to vector<16xi32>
      %lt3A_115 = arith.cmpi slt, %get3A_109, %lt3A_114 : vector<16xi32>
      %and3A_116 = arith.andi %ge3A_111, %lt3A_115 : vector<16xi1>
      %sub3A_117 = vector.broadcast %mul3A_2 : i32 to vector<16xi32>
      %sub3A_118 = arith.subi %get3A_109, %sub3A_117 : vector<16xi32>
      %jit3A_119 = arith.constant 0 : i32
      %broadcast_in_dim3A_120 = vector.broadcast %jit3A_119 : i32 to vector<16xi32>
      %select_n3A_121 = arith.select %and3A_116, %sub3A_118, %broadcast_in_dim3A_120 : vector<16xi1>, vector<16xi32>
      tpu.vector_store_idx %arg9[%select_n3A_121], %broadcast_in_dim3A_52 masked %and3A_116 : memref<256xf32, #tpu.memory_space<vmem>>[vector<16xi32>], vector<16xf32>, vector<16xi1>
    }
    %scan3A_57 = arith.constant 512 : i32
    "tpu.region"() ({
      %run_scoped3A = tpu.sem_alloc : memref<!tpu.dma_semaphore, #tpu.memory_space<semaphore_mem>>
      %dma_start3A_58 = tpu.memref_slice %arg5[%mul3A_2] : memref<16384xf32, #tpu.memory_space<hbm>> -> memref<256xf32, #tpu.memory_space<hbm>>
      %dma_start3A_59 = tpu.memref_slice %arg5[%mul3A_2] : memref<16384xf32, #tpu.memory_space<hbm>> -> memref<256xf32, #tpu.memory_space<hbm>>
      tpu.enqueue_dma source(%arg9 : memref<256xf32, #tpu.memory_space<vmem>>) target(%dma_start3A_59 : memref<256xf32, #tpu.memory_space<hbm>>) target_semaphore(%run_scoped3A : memref<!tpu.dma_semaphore, #tpu.memory_space<semaphore_mem>>)
      %dma_wait3A_60 = tpu.memref_slice %arg5[%mul3A_2] : memref<16384xf32, #tpu.memory_space<hbm>> -> memref<256xf32, #tpu.memory_space<hbm>>
      %dma_wait3A_61 = tpu.memref_slice %arg5[%mul3A_2] : memref<16384xf32, #tpu.memory_space<hbm>> -> memref<256xf32, #tpu.memory_space<hbm>>
      tpu.wait_dma2 semaphore(%run_scoped3A : memref<!tpu.dma_semaphore, #tpu.memory_space<semaphore_mem>>) src(%arg9 : memref<256xf32, #tpu.memory_space<vmem>>) dst(%dma_wait3A_61 : memref<256xf32, #tpu.memory_space<hbm>>)
      tpu.yield
    }) : () -> ()
    return
  }
}

module attributes {stable_mosaic.version = 14 : i64} {
  func.func @_dist_body(%arg0: i32, %arg1: memref<256x32xf32, #tpu.memory_space<vmem>>, %arg2: memref<256x1xf32, #tpu.memory_space<vmem>>, %arg3: memref<256x32xf32, #tpu.memory_space<vmem>>, %arg4: memref<8192x32xf32, #tpu.memory_space<vmem>>, %arg5: memref<1x8192xf32, #tpu.memory_space<vmem>>, %arg6: memref<1x8192xf32, #tpu.memory_space<vmem>>, %arg7: memref<1x1x256xi32, #tpu.memory_space<vmem>>, %arg8: memref<1x1x256xf32, #tpu.memory_space<vmem>>, %arg9: memref<1x1x256xf32, #tpu.memory_space<vmem>>, %arg10: memref<1x1x256xf32, #tpu.memory_space<vmem>>, %arg11: memref<1x1x256xf32, #tpu.memory_space<vmem>>) attributes {dimension_semantics = [#tpu.dimension_semantics<arbitrary>], iteration_bounds = array<i64: 32>, scalar_prefetch = 0 : i64, scratch_operands = 0 : i64, tpu.core_type = #tpu.core_type<tc>, window_params = [{transform_indices = @transform_0, window_bounds = array<i64: 256, 32>}, {transform_indices = @transform_1, window_bounds = array<i64: 256, 1>}, {transform_indices = @transform_2, window_bounds = array<i64: 256, 32>}, {pipeline_mode = #tpu.pipeline_mode<synchronous>, transform_indices = @transform_3, window_bounds = array<i64: 8192, 32>}, {pipeline_mode = #tpu.pipeline_mode<synchronous>, transform_indices = @transform_4, window_bounds = array<i64: 1, 8192>}, {pipeline_mode = #tpu.pipeline_mode<synchronous>, transform_indices = @transform_5, window_bounds = array<i64: 1, 8192>}, {transform_indices = @transform_6, window_bounds = array<i64: 1, 1, 256>}, {transform_indices = @transform_7, window_bounds = array<i64: 1, 1, 256>}, {transform_indices = @transform_8, window_bounds = array<i64: 1, 1, 256>}, {transform_indices = @transform_9, window_bounds = array<i64: 1, 1, 256>}, {transform_indices = @transform_10, window_bounds = array<i64: 1, 1, 256>}]} {
    %get3A = arith.constant 0 : index
    %get3A_0 = arith.constant 0 : index
    %get3A_1 = vector.load %arg4[%get3A, %get3A_0] : memref<8192x32xf32, #tpu.memory_space<vmem>>, vector<8192x32xf32>
    %get3A_2 = arith.constant 0 : index
    %get3A_3 = arith.constant 0 : index
    %get3A_4 = vector.load %arg1[%get3A_2, %get3A_3] : memref<256x32xf32, #tpu.memory_space<vmem>>, vector<256x32xf32>
    %get3A_5 = arith.constant 0 : index
    %get3A_6 = arith.constant 0 : index
    %get3A_7 = vector.load %arg2[%get3A_5, %get3A_6] : memref<256x1xf32, #tpu.memory_space<vmem>>, vector<256x1xf32>
    %get3A_8 = arith.constant 0 : index
    %get3A_9 = arith.constant 0 : index
    %get3A_10 = vector.load %arg5[%get3A_8, %get3A_9] : memref<1x8192xf32, #tpu.memory_space<vmem>>, vector<1x8192xf32>
    %dot_general3A = arith.constant dense<0.000000e+00> : vector<256x8192xf32>
    %dot_general3A_11 = tpu.matmul %get3A_4, %get3A_1, %dot_general3A {dimension_numbers = #tpu.dot_dimension_numbers<[1], [1], [0], [0], [0, 0, 1, 0], [], []>, transpose_lhs_hint = false} : vector<256x32xf32>, vector<8192x32xf32>, vector<256x8192xf32> -> vector<256x8192xf32>
    %add3A = vector.broadcast %get3A_7 : vector<256x1xf32> to vector<256x8192xf32>
    %add3A_12 = vector.broadcast %get3A_10 : vector<1x8192xf32> to vector<256x8192xf32>
    %add3A_13 = arith.addf %add3A, %add3A_12 : vector<256x8192xf32>
    %mul3A = arith.constant 2.000000e+00 : f32
    %mul3A_14 = vector.broadcast %mul3A : f32 to vector<256x8192xf32>
    %mul3A_15 = arith.mulf %mul3A_14, %dot_general3A_11 : vector<256x8192xf32>
    %sub3A = arith.subf %add3A_13, %mul3A_15 : vector<256x8192xf32>
    %reduce_min3A = arith.constant dense<0x7F800000> : vector<256xf32>
    %reduce_min3A_16 = vector.multi_reduction <minimumf>, %sub3A, %reduce_min3A [1] : vector<256x8192xf32> to vector<256xf32>
    %broadcast_in_dim3A = vector.shape_cast %reduce_min3A_16 : vector<256xf32> to vector<256x1xf32>
    %iota3A = tpu.iota {dimensions = array<i32: 1>} : vector<256x8192xi32>
    %eq3A = vector.broadcast %broadcast_in_dim3A : vector<256x1xf32> to vector<256x8192xf32>
    %eq3A_17 = arith.cmpf oeq, %sub3A, %eq3A : vector<256x8192xf32>
    %jit3A = arith.constant 8192 : i32
    %broadcast_in_dim3A_18 = vector.broadcast %jit3A : i32 to vector<256x8192xi32>
    %select_n3A = arith.select %eq3A_17, %iota3A, %broadcast_in_dim3A_18 : vector<256x8192xi1>, vector<256x8192xi32>
    %reduce_min3A_19 = arith.constant dense<2147483647> : vector<256xi32>
    %reduce_min3A_20 = vector.multi_reduction <minsi>, %select_n3A, %reduce_min3A_19 [1] : vector<256x8192xi32> to vector<256xi32>
    %swap3A = arith.constant 0 : index
    %swap3A_21 = arith.constant 0 : index
    %swap3A_22 = arith.constant 0 : index
    %swap3A_23 = vector.load %arg7[%swap3A, %swap3A_21, %swap3A_22] : memref<1x1x256xi32, #tpu.memory_space<vmem>>, vector<1x1x256xi32>
    %swap3A_24 = vector.shape_cast %swap3A_23 : vector<1x1x256xi32> to vector<256xi32>
    %swap3A_25 = vector.shape_cast %reduce_min3A_20 : vector<256xi32> to vector<1x1x256xi32>
    tpu.vector_store %arg7[%swap3A, %swap3A_21, %swap3A_22], %swap3A_25 {strides = array<i32>} : memref<1x1x256xi32, #tpu.memory_space<vmem>>, vector<1x1x256xi32>,
    %squeeze3A = vector.shape_cast %broadcast_in_dim3A : vector<256x1xf32> to vector<256xf32>
    %swap3A_26 = arith.constant 0 : index
    %swap3A_27 = arith.constant 0 : index
    %swap3A_28 = arith.constant 0 : index
    %swap3A_29 = vector.load %arg8[%swap3A_26, %swap3A_27, %swap3A_28] : memref<1x1x256xf32, #tpu.memory_space<vmem>>, vector<1x1x256xf32>
    %swap3A_30 = vector.shape_cast %swap3A_29 : vector<1x1x256xf32> to vector<256xf32>
    %swap3A_31 = vector.shape_cast %squeeze3A : vector<256xf32> to vector<1x1x256xf32>
    tpu.vector_store %arg8[%swap3A_26, %swap3A_27, %swap3A_28], %swap3A_31 {strides = array<i32>} : memref<1x1x256xf32, #tpu.memory_space<vmem>>, vector<1x1x256xf32>,
    %get3A_32 = arith.constant 0 : index
    %get3A_33 = arith.constant 0 : index
    %get3A_34 = vector.load %arg3[%get3A_32, %get3A_33] : memref<256x32xf32, #tpu.memory_space<vmem>>, vector<256x32xf32>
    %get3A_35 = arith.constant 0 : index
    %get3A_36 = arith.constant 0 : index
    %get3A_37 = vector.load %arg6[%get3A_35, %get3A_36] : memref<1x8192xf32, #tpu.memory_space<vmem>>, vector<1x8192xf32>
    %dot_general3A_38 = arith.constant dense<0.000000e+00> : vector<256x8192xf32>
    %dot_general3A_39 = tpu.matmul %get3A_34, %get3A_1, %dot_general3A_38 {dimension_numbers = #tpu.dot_dimension_numbers<[1], [1], [0], [0], [0, 0, 1, 0], [], []>, transpose_lhs_hint = false} : vector<256x32xf32>, vector<8192x32xf32>, vector<256x8192xf32> -> vector<256x8192xf32>
    %sub3A_40 = vector.broadcast %get3A_37 : vector<1x8192xf32> to vector<256x8192xf32>
    %sub3A_41 = arith.subf %sub3A_40, %dot_general3A_39 : vector<256x8192xf32>
    %iota3A_42 = tpu.iota {dimensions = array<i32: 0>} : vector<256x8192xi32>
    %mul3A_43 = arith.constant 256 : i32
    %mul3A_44 = arith.muli %arg0, %mul3A_43 : i32
    %add3A_45 = vector.broadcast %mul3A_44 : i32 to vector<256x8192xi32>
    %add3A_46 = arith.addi %iota3A_42, %add3A_45 : vector<256x8192xi32>
    %eq3A_47 = arith.cmpi eq, %add3A_46, %iota3A : vector<256x8192xi32>
    %jit3A_48 = arith.constant 0x7F800000 : f32
    %broadcast_in_dim3A_49 = vector.broadcast %jit3A_48 : f32 to vector<256x8192xf32>
    %select_n3A_50 = arith.select %eq3A_47, %broadcast_in_dim3A_49, %sub3A_41 : vector<256x8192xi1>, vector<256x8192xf32>
    %reduce_min3A_51 = arith.constant dense<0x7F800000> : vector<256xf32>
    %reduce_min3A_52 = vector.multi_reduction <minimumf>, %select_n3A_50, %reduce_min3A_51 [1] : vector<256x8192xf32> to vector<256xf32>
    %swap3A_53 = arith.constant 0 : index
    %swap3A_54 = arith.constant 0 : index
    %swap3A_55 = arith.constant 0 : index
    %swap3A_56 = vector.load %arg9[%swap3A_53, %swap3A_54, %swap3A_55] : memref<1x1x256xf32, #tpu.memory_space<vmem>>, vector<1x1x256xf32>
    %swap3A_57 = vector.shape_cast %swap3A_56 : vector<1x1x256xf32> to vector<256xf32>
    %swap3A_58 = vector.shape_cast %reduce_min3A_52 : vector<256xf32> to vector<1x1x256xf32>
    tpu.vector_store %arg9[%swap3A_53, %swap3A_54, %swap3A_55], %swap3A_58 {strides = array<i32>} : memref<1x1x256xf32, #tpu.memory_space<vmem>>, vector<1x1x256xf32>,
    %reduce_sum3A = arith.constant dense<0.000000e+00> : vector<256xf32>
    %reduce_sum3A_59 = vector.multi_reduction <add>, %sub3A_41, %reduce_sum3A [1] : vector<256x8192xf32> to vector<256xf32>
    %swap3A_60 = arith.constant 0 : index
    %swap3A_61 = arith.constant 0 : index
    %swap3A_62 = arith.constant 0 : index
    %swap3A_63 = vector.load %arg10[%swap3A_60, %swap3A_61, %swap3A_62] : memref<1x1x256xf32, #tpu.memory_space<vmem>>, vector<1x1x256xf32>
    %swap3A_64 = vector.shape_cast %swap3A_63 : vector<1x1x256xf32> to vector<256xf32>
    %swap3A_65 = vector.shape_cast %reduce_sum3A_59 : vector<256xf32> to vector<1x1x256xf32>
    tpu.vector_store %arg10[%swap3A_60, %swap3A_61, %swap3A_62], %swap3A_65 {strides = array<i32>} : memref<1x1x256xf32, #tpu.memory_space<vmem>>, vector<1x1x256xf32>,
    %mul3A_66 = arith.mulf %sub3A_41, %sub3A_41 : vector<256x8192xf32>
    %reduce_sum3A_67 = arith.constant dense<0.000000e+00> : vector<256xf32>
    %reduce_sum3A_68 = vector.multi_reduction <add>, %mul3A_66, %reduce_sum3A_67 [1] : vector<256x8192xf32> to vector<256xf32>
    %swap3A_69 = arith.constant 0 : index
    %swap3A_70 = arith.constant 0 : index
    %swap3A_71 = arith.constant 0 : index
    %swap3A_72 = vector.load %arg11[%swap3A_69, %swap3A_70, %swap3A_71] : memref<1x1x256xf32, #tpu.memory_space<vmem>>, vector<1x1x256xf32>
    %swap3A_73 = vector.shape_cast %swap3A_72 : vector<1x1x256xf32> to vector<256xf32>
    %swap3A_74 = vector.shape_cast %reduce_sum3A_68 : vector<256xf32> to vector<1x1x256xf32>
    tpu.vector_store %arg11[%swap3A_69, %swap3A_70, %swap3A_71], %swap3A_74 {strides = array<i32>} : memref<1x1x256xf32, #tpu.memory_space<vmem>>, vector<1x1x256xf32>,
    return
  }
  func.func @transform_0(%arg0: i32) -> (i32, i32) {
    %c0_i32 = arith.constant 0 : i32
    %c0_i32_0 = arith.constant 0 : i32
    return %arg0, %c0_i32 : i32, i32
  }
  func.func @transform_1(%arg0: i32) -> (i32, i32) {
    %c0_i32 = arith.constant 0 : i32
    %c0_i32_0 = arith.constant 0 : i32
    return %arg0, %c0_i32 : i32, i32
  }
  func.func @transform_2(%arg0: i32) -> (i32, i32) {
    %c0_i32 = arith.constant 0 : i32
    %c0_i32_0 = arith.constant 0 : i32
    return %arg0, %c0_i32 : i32, i32
  }
  func.func @transform_3(%arg0: i32) -> (i32, i32) {
    %c0_i32 = arith.constant 0 : i32
    %c0_i32_0 = arith.constant 0 : i32
    %c0_i32_1 = arith.constant 0 : i32
    return %c0_i32, %c0_i32_0 : i32, i32
  }
  func.func @transform_4(%arg0: i32) -> (i32, i32) {
    %c0_i32 = arith.constant 0 : i32
    %c0_i32_0 = arith.constant 0 : i32
    %c0_i32_1 = arith.constant 0 : i32
    return %c0_i32, %c0_i32_0 : i32, i32
  }
  func.func @transform_5(%arg0: i32) -> (i32, i32) {
    %c0_i32 = arith.constant 0 : i32
    %c0_i32_0 = arith.constant 0 : i32
    %c0_i32_1 = arith.constant 0 : i32
    return %c0_i32, %c0_i32_0 : i32, i32
  }
  func.func @transform_6(%arg0: i32) -> (i32, i32, i32) {
    %c0_i32 = arith.constant 0 : i32
    %c0_i32_0 = arith.constant 0 : i32
    %c0_i32_1 = arith.constant 0 : i32
    return %arg0, %c0_i32, %c0_i32_0 : i32, i32, i32
  }
  func.func @transform_7(%arg0: i32) -> (i32, i32, i32) {
    %c0_i32 = arith.constant 0 : i32
    %c0_i32_0 = arith.constant 0 : i32
    %c0_i32_1 = arith.constant 0 : i32
    return %arg0, %c0_i32, %c0_i32_0 : i32, i32, i32
  }
  func.func @transform_8(%arg0: i32) -> (i32, i32, i32) {
    %c0_i32 = arith.constant 0 : i32
    %c0_i32_0 = arith.constant 0 : i32
    %c0_i32_1 = arith.constant 0 : i32
    return %arg0, %c0_i32, %c0_i32_0 : i32, i32, i32
  }
  func.func @transform_9(%arg0: i32) -> (i32, i32, i32) {
    %c0_i32 = arith.constant 0 : i32
    %c0_i32_0 = arith.constant 0 : i32
    %c0_i32_1 = arith.constant 0 : i32
    return %arg0, %c0_i32, %c0_i32_0 : i32, i32, i32
  }
  func.func @transform_10(%arg0: i32) -> (i32, i32, i32) {
    %c0_i32 = arith.constant 0 : i32
    %c0_i32_0 = arith.constant 0 : i32
    %c0_i32_1 = arith.constant 0 : i32
    return %arg0, %c0_i32, %c0_i32_0 : i32, i32, i32
  }
}

</mosaic_0001>

<sc_bundles>
// kernel: kernel.4.cloned.1.call-start
scs
__scs_entry_jumppad:
0x0: {  	(pc) =	sbr.rel $0x88, $3  }
0x1: {  	(tag) =	ssettag $0x0;
	lr =	simm.s32 $0x1  }
0x2: {  	[smem:$0x3F9F] =	sst lr;
	_ =	strace $0xD0000000  }
0x3: {  	_ = 	snop  }
0x4: {  	_ = 	snop  }
0x5: {  	_ = 	snop  }
0x6: {  	_ = 	snop  }
0x7: {  	_ = 	snop  }
__scs_overlays_trampoline_lowered:
0x8: {  	[smem:$0x3FAE] =	sst s0  }
0x9: {  	[smem:$0x3FAF] =	sst s1  }
0xa: {  	[smem:$0x3FB0] =	sst s2  }
0xb: {  	[smem:$0x3FB1] =	sst s3  }
0xc: {  	[smem:$0x3FB2] =	sst s4  }
0xd: {  	[smem:$0x3FB3] =	sst s5  }
0xe: {  	[smem:$0x3FB4] =	sst s6  }
0xf: {  	[smem:$0x3FB5] =	sst s7  }
0x10: {  	[smem:$0x3FB6] =	sst s8  }
0x11: {  	[smem:$0x3FB7] =	sst s9;
	s0 =	simm.s32 @!p0 $0x0  }
0x12: {  	s1 =	sld [smem:$0x3F9D];
	s0 =	simm.s32 @p0 $0x1  }
0x13: {  	[smem:$0x3FB8] =	sst s0;
	s0 =	simm.s32 @!p1 $0x0  }
0x14: {  	s2 =	sld [smem:$0x3F9C];
	s0 =	simm.s32 @p1 $0x1  }
0x15: {  	[smem:$0x3FB9] =	sst s0;
	s0 =	simm.s32 @!p2 $0x0  }
0x16: {  	s3 =	sld [smem:$0x3FDB];
	s0 =	simm.s32 @p2 $0x1  }
0x17: {  	s4 =	simm.s32 $0x1BF5;
	[smem:$0x3FBB] =	sst s0  }
0x18: {  	s0 =	sld [smem:$0x3F9E];
	_ =	swait.ge [sflag:s4], $0x0  }
0x19: {  	s7 =	sld [smem:$0x3F9F]  }
0x1a: {  	s8 =	sadd.s32 $0xFFFFE003, lr  }
0x1b: {  	s9 =	sadd.s32 $0xFFFFFEF7, lr;
	s5 =	simm.s32 $0xFFFFFFFF;
	p2 =	slt.u32 s8, $0xFFFFF086  }
0x1c: {  	p1 =	slt.u32 s9, $0xF7A;
	s5 =	simm.s32 @!p2 $0x0  }
0x1d: {  	s5 =	simm.s32 @p1 $0x1;
	p0 =	seq.s32 s7, s2  }
0x1e: {  	s7 =	smul.u32 @!p0 $0xF7A, s2;
	p2 =	seq.s32 @!p0 s5, $0x0  }
0x1f: {  	s9 =	smul.u32 $0xF7A, s1;
	s8 =	simm.s32 @!p0 $0x1BF5;
	p2 =	por !p2, p0  }
0x20: {  	[sflag:s8] =	ssyncset.s32 @!p0 $0xFFFFF086;
	s6 =	sadd.s32 @!p0 s3, s7;
	s7 =	simm.s32 @!p0 $0x108  }
0x21: {  	s3 =	sadd.s32 s3, s9;
	s6 =	sadd.s32 @!p0 $0x88, s6;
	s7 =	simm.s32 @p2 $0x1082  }
0x22: {  	[simem:s7], [sflag:s8] =	dma.local @!p0 [hbm:s6], $0xF7A  }
0x23: {  	s9 =	sor.u32 $0xD0000000, s2;
	s6 =	simm.s32 $0x108;
	_ =	swait.ge @!p0 [sflag:s8], $0x0  }
0x24: {  	s3 =	sadd.s32 $0x88, s3;
	s6 =	simm.s32 @!p1 $0x1082;
	[sflag:s4] =	ssyncset.s32 $0xFFFFF086  }
0x25: {  	[simem:s6], [sflag:s4] =	dma.local [hbm:s3], $0xF7A  }
0x26: {  	[smem:$0x3F9F] =	sst s1;
	(tag) =	ssettag s2;
	_ =	strace s9  }
0x27: {  	s1 =	sld [smem:$0x3FAF]  }
0x28: {  	s2 =	sld [smem:$0x3FB0]  }
0x29: {  	s4 =	sld [smem:$0x3FB2]  }
0x2a: {  	p0 =	seq.s32 s5, $0x0;
	s5 =	sld [smem:$0x3FB3]  }
0x2b: {  	s6 =	sld [smem:$0x3FB4]  }
0x2c: {  	s7 =	sld [smem:$0x3FB5]  }
0x2d: {  	s3 =	simm.s32 $0x108;
	s8 =	sld [smem:$0x3FB6]  }
0x2e: {  	s3 =	simm.s32 @!p0 $0x1082;
	s9 =	sld [smem:$0x3FB7]  }
0x2f: {  	lr =	sadd.s32 s0, s3;
	s0 =	sld [smem:$0x3FAE]  }
0x30: {  	s3 =	sld [smem:$0x3FB1]  }
0x31: {  	[smem:$0x3FBA] =	sst s10  }
0x32: {  	s10 =	sld [smem:$0x3FB8];
	_ =	sdelay $0x3  }
0x33: {  	p0 =	seq.s32 s10, $0x1;
	s10 =	sld [smem:$0x3FBA];
	_ =	sdelay $0x3  }
0x34: {  	[smem:$0x3FBA] =	sst s10  }
0x35: {  	s10 =	sld [smem:$0x3FB9];
	_ =	sdelay $0x3  }
0x36: {  	p1 =	seq.s32 s10, $0x1;
	s10 =	sld [smem:$0x3FBA];
	_ =	sdelay $0x3  }
0x37: {  	[smem:$0x3FBA] =	sst s10  }
0x38: {  	s10 =	sld [smem:$0x3FBB]  }
0x39: {  	_ = 	snop;
	(pc) =	sbr.ind lr, $3  }
0x3a: {  	_ = 	snop  }
0x3b: {  	_ = 	snop  }
0x3c: {  	p2 =	seq.s32 s10, $0x1;
	s10 =	sld [smem:$0x3FBA]  }
0x3d: {  	_ =	shalt  }
0x3e: {  	_ =	shalt  }
0x3f: {  	_ =	shalt  }
0x40: {  	_ =	shalt  }
0x41: {  	_ =	shalt  }
0x42: {  	_ =	shalt  }
0x43: {  	_ =	shalt  }
0x44: {  	_ =	shalt  }
0x45: {  	_ =	shalt  }
0x46: {  	_ =	shalt  }
0x47: {  	_ =	shalt  }
0x48: {  	_ =	shalt  }
0x49: {  	_ =	shalt  }
0x4a: {  	_ =	shalt  }
0x4b: {  	_ =	shalt  }
0x4c: {  	_ =	shalt  }
0x4d: {  	_ =	shalt  }
0x4e: {  	_ =	shalt  }
0x4f: {  	_ =	shalt  }
0x50: {  	_ =	shalt  }
0x51: {  	_ =	shalt  }
0x52: {  	_ =	shalt  }
0x53: {  	_ =	shalt  }
0x54: {  	_ =	shalt  }
0x55: {  	_ =	shalt  }
0x56: {  	_ =	shalt  }
0x57: {  	_ =	shalt  }
0x58: {  	_ =	shalt  }
0x59: {  	_ =	shalt  }
0x5a: {  	_ =	shalt  }
0x5b: {  	_ =	shalt  }
0x5c: {  	_ =	shalt  }
0x5d: {  	_ =	shalt  }
0x5e: {  	_ =	shalt  }
0x5f: {  	_ =	shalt  }
0x60: {  	_ =	shalt  }
0x61: {  	_ =	shalt  }
0x62: {  	_ =	shalt  }
0x63: {  	_ =	shalt  }
0x64: {  	_ =	shalt  }
0x65: {  	_ =	shalt  }
0x66: {  	_ =	shalt  }
0x67: {  	_ =	shalt  }
0x68: {  	_ =	shalt  }
0x69: {  	_ =	shalt  }
0x6a: {  	_ =	shalt  }
0x6b: {  	_ =	shalt  }
0x6c: {  	_ =	shalt  }
0x6d: {  	_ =	shalt  }
0x6e: {  	_ =	shalt  }
0x6f: {  	_ =	shalt  }
0x70: {  	_ =	shalt  }
0x71: {  	_ =	shalt  }
0x72: {  	_ =	shalt  }
0x73: {  	_ =	shalt  }
0x74: {  	_ =	shalt  }
0x75: {  	_ =	shalt  }
0x76: {  	_ =	shalt  }
0x77: {  	_ =	shalt  }
0x78: {  	_ =	shalt  }
0x79: {  	_ =	shalt  }
0x7a: {  	_ =	shalt  }
0x7b: {  	_ =	shalt  }
0x7c: {  	_ =	shalt  }
0x7d: {  	_ =	shalt  }
0x7e: {  	_ =	shalt  }
0x7f: {  	_ =	shalt  }
0x80: {  	_ =	shalt  }
0x81: {  	_ =	shalt  }
0x82: {  	_ =	shalt  }
0x83: {  	_ =	shalt  }
0x84: {  	_ =	shalt  }
0x85: {  	_ =	shalt  }
0x86: {  	_ =	shalt  }
0x87: {  	_ =	shalt  }
.Lfunc_end0:
.L_simem_size_0:
called_computation_lowered:
.L_overlay_start_0:
0x88: {  	s2 =	sld [smem:$0x3FD9]  }
0x89: {  	s3 =	sld [smem:$0x3FFE];
	_ =	sdelay $0x1  }
0x8a: {  	s1 =	srdreg.scid  }
0x8b: {  	s0 =	sand.u32 $0x1, s1  }
0x8c: {  	s14 =	sshll.u32 s0, $0xA;
	s2 =	sadd.s32 s3, s2  }
0x8d: {  	s2 =	sadd.s32 s2, s14  }
0x8e: {  	[smem:$0x3FC6] =	sst s2  }
0x8f: {  	_ = 	snop  }
0x90: {  	s2 =	sld [smem:$0x3FD0];
	_ =	sdelay $0x2  }
0x91: {  	s15 =	simm.s32 $0xA;
	s4 =	simm.s32 $0x10  }
0x92: {  	[smem:s4], [sflag:s15] =	dma.local [hbm:s2], $0x1  }
0x93: {  	_ =	swait.eq [sflag:s15], $0x1  }
0x94: {  	[sflag:s15] =	ssyncset.done $0x0  }
0x95: {  	s16 =	sld [smem:$0x10];
	[sflag:s15] =	ssyncadd.s32 $0xFFFFFFFF  }
0x96: {  	s17 =	sld [smem:$0x13];
	(tm) =	ssettm $0x1  }
0x97: {  	s18 =	sld [smem:$0x3FFB];
	_ =	sdelay $0x3  }
0x98: {  	_ =	strace s18  }
0x99: {  	s4 =	sld [smem:$0x3FFC];
	_ =	sdelay $0x3  }
0x9a: {  	_ =	strace s4  }
0x9b: {  	s4 =	sld [smem:$0x3FFD];
	_ =	sdelay $0x3  }
0x9c: {  	_ =	strace s4  }
0x9d: {  	_ =	strace $0x8FFFFFFF  }
0x9e: {  	s19 =	sld [smem:$0x3FDB];
	_ =	sdelay $0x1  }
0x9f: {  	s5 =	simm.s32 $_scs_section_size  }
0xa0: {  	s6 =	simm.s32 $_size__tile_overlayer_lowered;
	s7 =	simm.s32 $_tile_overlayer_lowered  }
0xa1: {  	s22 =	simm.s32 $0x1BFF;
	s21 =	sshll.u32 s7, $0x1;
	s4 =	sadd.s32 s5, s19  }
0xa2: {  	s8 =	simm.s32 $0x0;
	s20 =	sshll.u32 s6, $0x1;
	s6 =	sadd.s32 s21, s4  }
0xa3: {  	[timem:s8], [sflag:s22] =	dma.local [hbm:s6], s20  }
0xa4: {  	_ =	swait.ge [sflag:s22], s20  }
0xa5: {  	s5 =	ssub.s32 $0x0, s20;
	[sflag:s22] =	ssyncset.done $0x0  }
0xa6: {  	[sflag:s22] =	ssyncadd.s32 s5;
	_ =	sdelay $0x1  }
0xa7: {  	s23 =	simm.s32 $0x1B8B  }
0xa8: {  	_ =	swait.ge [sflag:s23], $0x1  }
0xa9: {  	[sflag:s23] =	ssyncset.done $0x0  }
0xaa: {  	s25 =	simm.s32 $0x1B8E;
	s24 =	sld [smem:$0x3FFE];
	[sflag:s23] =	ssyncadd.s32 $0xFFFFFFFF  }
0xab: {  	s26 =	simm.s32 $execute0_lowered;
	[smem:$0x3FD2] =	sst s25  }
0xac: {  	s6 =	sshll.u32 s26, $0x1;
	_ =	strace $0x80000046;
	[dreg:$0x1] =	wrdreg $0xFFFFFFFF  }
0xad: {  	s28 =	simm.s32 $_size_execute0_lowered;
	s4 =	sadd.s32 s4, s6;
	[dreg:$0x0] =	wrdreg $0x0  }
0xae: {  	s6 =	sshll.u32 s28, $0x1;
	[dreg:$0x2] =	wrdreg s4  }
0xaf: {  	[dreg:$0x3] =	wrdreg s6  }
0xb0: {  	[dreg:$0x4] =	wrdreg $0xC0  }
0xb1: {  	_ =	task [dreg:s8], $0x5FFFF  }
0xb2: {  	[dreg:$0x1] =	wrdreg $0xFFFFFFFF  }
0xb3: {  	[dreg:$0x0] =	wrdreg $0x60  }
0xb4: {  	[dreg:$0x2] =	wrdreg s16  }
0xb5: {  	[dreg:$0x3] =	wrdreg s17  }
0xb6: {  	[dreg:$0x4] =	wrdreg s24  }
0xb7: {  	[dreg:$0x5] =	wrdreg $0x9  }
0xb8: {  	_ =	task.clear_ibuf [dreg:s8], $0x6FFFF;
	_ =	strace $0x90000046  }
0xb9: {  	s29 =	simm.s32 $0x9;
	_ =	strace $0x80000048  }
0xba: {  	_ =	swait.ge [sflag:s29], $0x1  }
0xbb: {  	[sflag:s29] =	ssyncadd.s32 $0xFFFFFFFF  }
0xbc: {  	_ =	strace $0x90000048  }
0xbd: {  	_ =	sfence  }
0xbe: {  	s30 =	sld [smem:$0x0];
	_ =	sdelay $0x2  }
0xbf: {  	s31 =	sshll.u32 s1, $0xD;
	s1 =	sshrl.u32 s1, $0x2  }
0xc0: {  	s3 =	sand.u32 $0x4000, s31;
	s1 =	sadd.s32 s1, s30  }
0xc1: {  	s0 =	sor.u32 s3, s0;
	s1 =	sshll.u32 s1, $0x11  }
0xc2: {  	s0 =	sor.u32 s1, s0  }
0xc3: {  	s0 =	sadd.s32 $0x8F2B, s0  }
0xc4: {  	[sflag:s0] =	ssyncadd.remote.s32 $0x1  }
0xc5: {  	_ =	sfence.sel $0xFFFF  }
0xc6: {  	[dreg:$0x0] =	wrdreg $0xFFFFFFFF;
	(pc) =	sbr.abs _section_cstart, $3  }
0xc7: {  	[dreg:$0x1] =	wrdreg $0xFFFFFFFF  }
0xc8: {  	_ =	task.clear_ibuf [dreg:s8], $0x2FFFF;
	_ =	strace $0x9FFFFFFF  }
0xc9: {  	(tm) =	ssettm $0x7FFFFFFF  }
tec
execute0_lowered:
.L_overlay_start_1:
0x0: {  	(tag) =	ssettag $0x1  }
0x1: {  	s1 =	rddreg [dreg:$0x0]  }
0x2: {  	s2 =	rddreg [dreg:$0x1]  }
0x3: {  	s7 =	rddreg [dreg:$0x2]  }
0x4: {  	s0 =	rddreg [dreg:$0x3]  }
0x5: {  	s4 =	simm.s32 $0x0;
	s5 =	srdreg.scid;
	s3 =	stileid.u32  }
0x6: {  	s14 =	simm.s32 $0x80;
	s15 =	simm.s32 $0x2080;
	s17 =	simm.s32 $0x3080  }
0x7: {  	s18 =	simm.s32 $0x0;
	[smem:$0x7FF] =	sst s4;
	s5 =	sand.u32 $0x1, s5  }
0x8: {  	s8 =	sshll.u32 s3, $0x9;
	s6 =	ssub.s32 $0x2, s5;
	s5 =	sshll.u32 s5, $0x8  }
0x9: {  	s9 =	sadd.s32 $0x800, s7;
	s10 =	sshrl.u32 s6, $0x1;
	s13 =	sor.u32 s5, s8  }
0xa: {  	_ =	strace $0x80000047;
	s11 =	ssub.s32 s6, s10;
	s8 =	sshrl.u32 s13, $0x3  }
0xb: {  	s30 =	sshll.u32 s13, $0x2;
	s31 =	sor.u32 $0x80, s13;
	s16 =	sadd.s32 $0x100, s13  }
0xc: {  	v0 =	vmov s13;
	s13 =	simm.s32 $0x2;
	s5 =	sadd.s32 s2, s8;
	s6 =	sadd.s32 s9, s30  }
0xd: {  	s12 =	sshrl.u32 s31, $0x3;
	s10 =	sshll.u32 s31, $0x2;
	s7 =	sadd.s32 s7, s8  }
0xe: {  	s11 =	smax.u32 s11, $0x1;
	v1 =	vmov s16;
	s16 =	simm.s32 $0x1;
	s8 =	sadd.s32 s2, s12  }
0xf: {  	v2 =	vimm.f32 $0.0e+00;
	v3 =	vimm.f32 $1.000000000e+00;
	s9 =	sadd.s32 s9, s10;
	s10 =	sadd.s32 $0x400, s7;
	s12 =	simm.s32 $0x2000  }
.LBB2_1:
0x10: {  	[tilespmem:s12], [sflag:$0x2] =	stream.linear.gather [hbm4b:s5+s4], $0x80, $0x38;
	[tilespmem:$0x3180] =	vst v63  }
0x11: {  	_ =	swait.ge [sflag:s13], $0x80  }
0x12: {  	[sflag:s13] =	ssyncset.done $0x0  }
0x13: {  	[sflag:s13] =	ssyncadd.s32 $0xFFFFFF80  }
0x14: {  	[tilespmem:s15], [sflag:$0x1] =	stream.indirect.gather [hbm4b:s1+s14], $0x20, s12, s14, $0xb8;
	[tilespmem:$0x3180] =	vst v63  }
0x15: {  	_ =	swait.ge [sflag:s16], $0x1000  }
0x16: {  	[sflag:s16] =	ssyncset.done $0x0  }
0x17: {  	[sflag:s16] =	ssyncadd.s32 $0xFFFFF000  }
0x18: {  	[hbm4b:s6+s4] =	stream.linear.scatter [tilespmem:s15], [sflag:$0x2], $0x1000, $0x38;
	[tilespmem:$0x3180] =	vst v63  }
0x19: {  	_ =	swait.ge [sflag:s13], $0x1000  }
0x1a: {  	[sflag:s13] =	ssyncset.done $0x0  }
0x1b: {  	[sflag:s13] =	ssyncadd.s32 $0xFFFFF000  }
0x1c: {  	[tilespmem:s12], [sflag:$0x2] =	stream.linear.gather [hbm4b:s8+s4], $0x80, $0x38;
	[tilespmem:$0x3180] =	vst v63  }
0x1d: {  	_ =	swait.ge [sflag:s13], $0x80  }
0x1e: {  	[sflag:s13] =	ssyncset.done $0x0  }
0x1f: {  	[sflag:s13] =	ssyncadd.s32 $0xFFFFFF80  }
0x20: {  	[tilespmem:s15], [sflag:$0x1] =	stream.indirect.gather [hbm4b:s1+s14], $0x20, s12, s14, $0xb8;
	[tilespmem:$0x3180] =	vst v63  }
0x21: {  	_ =	swait.ge [sflag:s16], $0x1000  }
0x22: {  	[sflag:s16] =	ssyncset.done $0x0  }
0x23: {  	[sflag:s16] =	ssyncadd.s32 $0xFFFFF000  }
0x24: {  	[hbm4b:s9+s4] =	stream.linear.scatter [tilespmem:s15], [sflag:$0x2], $0x1000, $0x38;
	[tilespmem:$0x3180] =	vst v63  }
0x25: {  	_ =	swait.ge [sflag:s13], $0x1000  }
0x26: {  	[sflag:s13] =	ssyncset.done $0x0  }
0x27: {  	[sflag:s13] =	ssyncadd.s32 $0xFFFFF000  }
0x28: {  	[tilespmem:$0x3080] =	vst v2  }
0x29: {  	[tilespmem:$0x3090] =	vst v2  }
0x2a: {  	[tilespmem:$0x30A0] =	vst v2  }
0x2b: {  	[tilespmem:$0x30B0] =	vst v2  }
0x2c: {  	[tilespmem:$0x30C0] =	vst v2  }
0x2d: {  	[tilespmem:$0x30D0] =	vst v2  }
0x2e: {  	[tilespmem:$0x30E0] =	vst v2  }
0x2f: {  	[tilespmem:$0x30F0] =	vst v2  }
0x30: {  	[tilespmem:$0x3100] =	vst v2  }
0x31: {  	[tilespmem:$0x3110] =	vst v2  }
0x32: {  	[tilespmem:$0x3120] =	vst v2  }
0x33: {  	[tilespmem:$0x3130] =	vst v2  }
0x34: {  	[tilespmem:$0x3140] =	vst v2  }
0x35: {  	[tilespmem:$0x3150] =	vst v2  }
0x36: {  	[tilespmem:$0x3160] =	vst v2  }
0x37: {  	[tilespmem:$0x3170] =	vst v2  }
0x38: {  	[hbm4b:s10+s4] =	stream.linear.scatter [tilespmem:s17], [sflag:$0x2], $0x100, $0x38;
	[tilespmem:$0x3180] =	vst v63  }
0x39: {  	_ =	swait.ge [sflag:s13], $0x100  }
0x3a: {  	[sflag:s13] =	ssyncset.done $0x0  }
0x3b: {  	[sflag:s13] =	ssyncadd.s32 $0xFFFFFF00  }
0x3c: {  	[tilespmem:s4], [sflag:$0x2] =	stream.linear.gather [hbm4b:s2+s4], $0x2000, $0x38;
	[tilespmem:$0x3180] =	vst v63  }
0x3d: {  	_ =	swait.ge [sflag:s13], $0x2000  }
0x3e: {  	[sflag:s13] =	ssyncset.done $0x0  }
0x3f: {  	s19 =	simm.s32 $0xFFFFFFFC;
	s20 =	simm.s32 $0x20;
	[sflag:s13] =	ssyncadd.s32 $0xFFFFE000  }
.LBB2_2:
0x40: {  	v4 =	vld [tilespmem:s20+$0xFFFFFFE0];
	_ =	sdelay $0x4  }
0x41: {  	vm0 =	vge.s32 v4, v0;
	vm1 =	vlt.s32 v4, v1  }
0x42: {  	v4 =	vsub.s32 v4, v0;
	vm0 =	vmand vm0, vm1  }
0x43: {  	v4 =	vnsel vm0, $0x0, v4;
	_ =	sdelay $0x4  }
0x44: {  	[tilespmem:v4+s17+$0x0] =	vst.idx.msk vm0, v3  }
0x45: {  	v4 =	vld [tilespmem:s20+$0xFFFFFFF0];
	_ =	sdelay $0x4  }
0x46: {  	vm10 =	vge.s32 v4, v0;
	vm11 =	vlt.s32 v4, v1  }
0x47: {  	v4 =	vsub.s32 v4, v0;
	vm0 =	vmand vm10, vm11  }
0x48: {  	v4 =	vnsel vm0, $0x0, v4;
	_ =	sdelay $0x4  }
0x49: {  	[tilespmem:v4+s17+$0x0] =	vst.idx.msk vm0, v3  }
0x4a: {  	v4 =	vld [tilespmem:s20+$0x0];
	_ =	sdelay $0x4  }
0x4b: {  	vm12 =	vge.s32 v4, v0;
	vm13 =	vlt.s32 v4, v1  }
0x4c: {  	v4 =	vsub.s32 v4, v0;
	vm0 =	vmand vm12, vm13  }
0x4d: {  	v4 =	vnsel vm0, $0x0, v4;
	_ =	sdelay $0x4  }
0x4e: {  	[tilespmem:v4+s17+$0x0] =	vst.idx.msk vm0, v3  }
0x4f: {  	v4 =	vld [tilespmem:s20+$0x10];
	_ =	sdelay $0x4  }
0x50: {  	vm14 =	vge.s32 v4, v0;
	vm15 =	vlt.s32 v4, v1  }
0x51: {  	s19 =	sadd.s32 $0x4, s19;
	v4 =	vsub.s32 v4, v0;
	vm0 =	vmand vm14, vm15  }
0x52: {  	p0 =	slt.u32 s19, $0x1FC;
	v4 =	vnsel vm0, $0x0, v4  }
.Ltmp0:
0x53: {  	_ = 	snop;
	(pc) =	sbr.rel @p0 .LBB2_2-.Ltmp0, $2  }
0x54: {  	_ =	sdelay $0x2  }
0x55: {  	s20 =	sadd.s32 $0x40, s20;
	[tilespmem:v4+s17+$0x0] =	vst.idx.msk vm0, v3  }
0x56: {  	s18 =	sadd.s32 $0x1, s18  }
0x57: {  	p0 =	sne.s32 s18, s11  }
.Ltmp1:
0x58: {  	_ = 	snop;
	(pc) =	sbr.rel @p0 .LBB2_1-.Ltmp1, $4  }
0x59: {  	[hbm4b:s7+s4] =	stream.linear.scatter [tilespmem:s17], [sflag:$0x2], $0x100, $0x38;
	[tilespmem:$0x3180] =	vst v63  }
0x5a: {  	_ =	swait.ge [sflag:s13], $0x100  }
0x5b: {  	[sflag:s13] =	ssyncset.done $0x0  }
0x5c: {  	[sflag:s13] =	ssyncadd.s32 $0xFFFFFF00  }
0x5d: {  	_ =	sfence.sel $0x180000  }
0x5e: {  	[bflag:$0x0] =	sbarrier.arrive $0xFFFF  }
0x5f: {  	p0 =	sne.s32 s3, $0x0;
	_ =	strace $0x90000047  }
0x60: {  	s0 =	sadd.s32 @!p0 $0x100000, s0;
	[bflag:$0x2] =	sbarrier.arrive $0xFFFF  }
0x61: {  	[sflag:s0] =	ssyncadd.tile.s32 @!p0 $0x1;
	_ =	shalt  }
.Lfunc_end2:
_tile_overlayer_lowered:
.L_overlay_start_2:
0x62: {  	(tag) =	ssettag $0x2  }
0x63: {  	s0 =	rddreg [dreg:$0x0];
	s2 =	stileid.u32  }
0x64: {  	s1 =	rddreg [dreg:$0x1];
	p0 =	sne.s32 s2, $0x0  }
0x65: {  	s3 =	rddreg [dreg:$0x2];
	[bflag:$0x3] =	sbarrier.arrive $0xFFFF;
	s2 =	simm.s32 @!p0 $0x1C02  }
0x66: {  	[timem:s3], [sflag:s2] =	dma.local @!p0 [hbm:s0], s1  }
0x67: {  	s0 =	simm.s32 @!p0 $0x2  }
0x68: {  	_ =	swait.ge @!p0 [sflag:s0], s1  }
0x69: {  	s1 =	ssub.s32 @!p0 $0x0, s1;
	[sflag:s0] =	ssyncset.done @!p0 $0x0  }
0x6a: {  	[sflag:s0] =	ssyncadd.s32 @!p0 s1  }
0x6b: {  	[bflag:$0x3] =	sbarrier.arrive $0xFFFF  }
0x6c: {  	_ =	shalt  }

</sc_bundles>
